<compile_context>
chip_gen: v7x
topology: tpu7x:2x2x1
jax: 0.10.2.dev20260603
libtpu: 0.0.44.dev20260713+nightly
codegen_flags: <defaults>
</compile_context>

<pallas_src>
import functools

import jax
import jax.numpy as jnp
from jax import lax
from jax.experimental import pallas as pl
from jax.experimental.pallas import tpu as pltpu
from jax.experimental.pallas import tpu_sc as plsc

_G = 2
_V = 320
_D = 128
_H = 512
_B = 8
_S = 1024
_TOK = _B * _S
_TBLK = 1024
_NBLK = _TOK // _TBLK


def _tc_body(hs_ref, w0_ref, w1_ref, b_ref, i0_ref, i1_ref, perp_ref,
             counts_ref):
    i = pl.program_id(0)

    @pl.when(i == 0)
    def _init():
        counts_ref[...] = jnp.zeros_like(counts_ref)

    iota_v = lax.broadcasted_iota(jnp.int32, (_TBLK, _V), 1)
    ones_row = jnp.ones((1, _TBLK), jnp.float32)
    for g, (w_ref, out_ref) in enumerate(((w0_ref, i0_ref), (w1_ref, i1_ref))):
        lg = (
            jnp.dot(hs_ref[...], w_ref[...], preferred_element_type=jnp.float32)
            + b_ref[g : g + 1, :]
        )
        m = jnp.max(lg, axis=1, keepdims=True)
        idx = jnp.min(jnp.where(lg == m, iota_v, _V), axis=1).astype(jnp.int32)
        out_ref[...] = idx + g * _V
        onehot = (iota_v == idx[:, None]).astype(jnp.float32)
        counts_ref[g : g + 1, :] += jnp.dot(
            ones_row, onehot, preferred_element_type=jnp.float32
        )

    @pl.when(i == _NBLK - 1)
    def _fin():
        p = counts_ref[...] * (1.0 / _TOK)
        ent = -jnp.sum(p * jnp.log(p + 1e-7), axis=1)
        perp_ref[...] = jnp.broadcast_to(jnp.sum(jnp.exp(ent)), (1, 1))


def _tc_call(hs, W0, W1, b2d):
    return pl.pallas_call(
        _tc_body,
        grid=(_NBLK,),
        in_specs=[
            pl.BlockSpec((_TBLK, _H), lambda i: (i, 0)),
            pl.BlockSpec((_H, _V), lambda i: (0, 0)),
            pl.BlockSpec((_H, _V), lambda i: (0, 0)),
            pl.BlockSpec((_G, _V), lambda i: (0, 0)),
        ],
        out_specs=[
            pl.BlockSpec((_TBLK,), lambda i: (i,)),
            pl.BlockSpec((_TBLK,), lambda i: (i,)),
            pl.BlockSpec((1, 1), lambda i: (0, 0)),
        ],
        out_shape=[
            jax.ShapeDtypeStruct((_TOK,), jnp.int32),
            jax.ShapeDtypeStruct((_TOK,), jnp.int32),
            jax.ShapeDtypeStruct((1, 1), jnp.float32),
        ],
        scratch_shapes=[pltpu.VMEM((_G, _V), jnp.float32)],
    )(hs, W0, W1, b2d)


_NW = 32
_TOK_PER_W = _TOK // _NW


@functools.lru_cache(maxsize=1)
def _make_sc_gather():
    @functools.partial(
        pl.kernel,
        mesh=plsc.VectorSubcoreMesh(core_axis_name="c", subcore_axis_name="s"),
        out_type=jax.ShapeDtypeStruct((_B, _S, _G * _D), jnp.float32),
        scratch_types=[
            pltpu.VMEM((_TOK_PER_W,), jnp.int32),
            pltpu.VMEM((_TOK_PER_W,), jnp.int32),
            pltpu.VMEM((_TOK_PER_W, _D), jnp.float32),
            pltpu.VMEM((_TOK_PER_W, _D), jnp.float32),
            pltpu.VMEM_SHARED((_G * _V, _D), jnp.float32),
            pltpu.SemaphoreType.DMA,
        ],
    )
    def _sc_gather(table_hbm, i0_hbm, i1_hbm, out_hbm, i0_v, i1_v, r0_v, r1_v,
                   table_sh, sem):
        sid = lax.axis_index("s")
        wid = sid * 2 + lax.axis_index("c")
        base = wid * _TOK_PER_W
        b = base // _S
        s0 = base % _S

        @pl.when(sid == 0)
        def _stage():
            pltpu.sync_copy(table_hbm, table_sh)

        pltpu.sync_copy(i0_hbm.at[pl.ds(base, _TOK_PER_W)], i0_v)
        pltpu.sync_copy(i1_hbm.at[pl.ds(base, _TOK_PER_W)], i1_v)
        plsc.subcore_barrier()
        c0 = pltpu.async_copy(table_sh.at[i0_v], r0_v, sem)
        c1 = pltpu.async_copy(table_sh.at[i1_v], r1_v, sem)
        c0.wait()
        c1.wait()
        pltpu.sync_copy(r0_v, out_hbm.at[b, pl.ds(s0, _TOK_PER_W), pl.ds(0, _D)])
        pltpu.sync_copy(r1_v, out_hbm.at[b, pl.ds(s0, _TOK_PER_W), pl.ds(_D, _D)])

    return _sc_gather


def kernel(hidden_states, W, b, codevectors):
    bsz, seq, _ = hidden_states.shape
    hs = hidden_states.reshape(bsz * seq, _H)
    W0 = W[:, :_V]
    W1 = W[:, _V:]
    i0, i1, perp = _tc_call(hs, W0, W1, b.reshape(_G, _V))
    table = codevectors.reshape(_G * _V, _D)
    out = _make_sc_gather()(table, i0, i1)
    return out, perp[0, 0]

# --- scband reference (transcript-rebuilt; emitter-appended) ---
"""Pipeline reference for scband-wav-lmgumbel-vector-quantizer-46385646797464 (READ-ONLY COPY).

The authoritative reference and input builder live on the scoring server;
editing this copy changes nothing except your own understanding.
"""

import jax, jax.numpy as jnp
import numpy as np

NUM_GROUPS = 2
NUM_VARS = 320
CODEVECTOR_DIM = 256
CONV_DIM_LAST = 512


def setup_inputs(seed: int = 0) -> dict:
    key = jax.random.key(seed)
    k1, k2, k3, k4 = jax.random.split(key, 4)
    hidden_states = jax.random.normal(k1, (8, 1024, CONV_DIM_LAST), dtype=jnp.float32)
    # weight_proj: Linear(conv_dim[-1] -> num_groups * num_vars)
    W = jax.random.normal(k2, (CONV_DIM_LAST, NUM_GROUPS * NUM_VARS), dtype=jnp.float32) * (1.0 / np.sqrt(CONV_DIM_LAST))
    b = jax.random.normal(k3, (NUM_GROUPS * NUM_VARS,), dtype=jnp.float32) * 0.01
    # codevectors parameter: (1, num_groups * num_vars, codevector_dim // num_groups)
    codevectors = jax.random.normal(k4, (1, NUM_GROUPS * NUM_VARS, CODEVECTOR_DIM // NUM_GROUPS), dtype=jnp.float32)
    return {"hidden_states": hidden_states, "W": W, "b": b, "codevectors": codevectors}


def _compute_perplexity(probs):
    marginal_probs = probs.mean(axis=0)
    perplexity = jnp.exp(-jnp.sum(marginal_probs * jnp.log(marginal_probs + 1e-07), axis=-1)).sum()
    return perplexity


def reference(hidden_states, W, b, codevectors):
    # Eval-mode forward path (argmax hard assignment) of WavLMGumbelVectorQuantizer.
    batch_size, sequence_length, hidden_size = hidden_states.shape
    hs = hidden_states @ W + b  # [B, S, G*V]
    hs = hs.reshape(batch_size * sequence_length * NUM_GROUPS, -1)  # [B*S*G, V]
    codevector_idx = jnp.argmax(hs, axis=-1)
    codevector_probs = jax.nn.one_hot(codevector_idx, NUM_VARS, dtype=hs.dtype)  # [B*S*G, V]
    codevector_probs_g = codevector_probs.reshape(batch_size * sequence_length, NUM_GROUPS, -1)
    perplexity = _compute_perplexity(codevector_probs_g)
    # codevectors_per_group = probs.unsqueeze(-1) * codevectors; then view + sum over vars.
    # Expressed as an equivalent per-group contraction over the num_vars axis.
    cv = codevectors.reshape(NUM_GROUPS, NUM_VARS, CODEVECTOR_DIM // NUM_GROUPS)
    codevectors_out = jnp.einsum('bgv,gvd->bgd', codevector_probs_g, cv)
    codevectors_out = codevectors_out.reshape(batch_size, sequence_length, -1)
    return (codevectors_out, perplexity)

if __name__ == "__main__":
    import jax
    _d = setup_inputs()
    print(jax.jit(kernel)(*tuple(_d.values())))

</pallas_src>

<mosaic_0001>
#map = affine_map<(d0, d1) -> (0, 0)>
#map1 = affine_map<(d0, d1) -> (0)>
#map2 = affine_map<(d0, d1) -> (0, 0, 0)>
module attributes {stable_mosaic.version = 14 : i64} {
  func.func @_sc_gather(%arg0: i32, %arg1: i32, %arg2: memref<640x128xf32, #tpu.memory_space<hbm>>, %arg3: memref<8192xi32, #tpu.memory_space<hbm>>, %arg4: memref<8192xi32, #tpu.memory_space<hbm>>, %arg5: memref<8x1024x256xf32, #tpu.memory_space<hbm>>, %arg6: memref<256xi32, #tpu.memory_space<vmem>>, %arg7: memref<256xi32, #tpu.memory_space<vmem>>, %arg8: memref<256x128xf32, #tpu.memory_space<vmem>>, %arg9: memref<256x128xf32, #tpu.memory_space<vmem>>, %arg10: memref<640x128xf32, #tpu.memory_space<vmem_shared>>, %arg11: memref<!tpu.dma_semaphore, #tpu.memory_space<semaphore_mem>>) attributes {dimension_semantics = [#tpu.dimension_semantics<core_parallel>, #tpu.dimension_semantics<subcore_parallel>], iteration_bounds = array<i64: 2, 16>, scalar_prefetch = 0 : i64, scratch_operands = 6 : i64, tpu.core_type = #tpu.core_type<sc_vector_subcore>, window_params = [{transform_indices = #map}, {transform_indices = #map1}, {transform_indices = #map1}, {transform_indices = #map2}]} {
    %mul3A = arith.constant 2 : i32
    %mul3A_0 = arith.muli %arg1, %mul3A : i32
    %add3A = arith.addi %mul3A_0, %arg0 : i32
    %mul3A_1 = arith.constant 256 : i32
    %mul3A_2 = arith.muli %add3A, %mul3A_1 : i32
    %jit3A = arith.constant 1024 : i32
    %div3A = arith.divsi %mul3A_2, %jit3A : i32
    %sign3A = arith.constant 0 : i32
    %sign3A_3 = arith.cmpi sgt, %mul3A_2, %sign3A : i32
    %sign3A_4 = arith.extui %sign3A_3 : i1 to i32
    %sign3A_5 = arith.constant 0 : i32
    %sign3A_6 = arith.cmpi slt, %mul3A_2, %sign3A_5 : i32
    %sign3A_7 = arith.extui %sign3A_6 : i1 to i32
    %sign3A_8 = arith.subi %sign3A_4, %sign3A_7 : i32
    %sign3A_9 = arith.constant 0 : i32
    %sign3A_10 = arith.cmpi sgt, %jit3A, %sign3A_9 : i32
    %sign3A_11 = arith.extui %sign3A_10 : i1 to i32
    %sign3A_12 = arith.constant 0 : i32
    %sign3A_13 = arith.cmpi slt, %jit3A, %sign3A_12 : i32
    %sign3A_14 = arith.extui %sign3A_13 : i1 to i32
    %sign3A_15 = arith.subi %sign3A_11, %sign3A_14 : i32
    %ne3A = arith.cmpi ne, %sign3A_8, %sign3A_15 : i32
    %rem3A = arith.remsi %mul3A_2, %jit3A : i32
    %ne3A_16 = arith.constant 0 : i32
    %ne3A_17 = arith.cmpi ne, %rem3A, %ne3A_16 : i32
    %and3A = arith.andi %ne3A, %ne3A_17 : i1
    %sub3A = arith.constant 1 : i32
    %sub3A_18 = arith.subi %div3A, %sub3A : i32
    %select_n3A = arith.select %and3A, %sub3A_18, %div3A : i32
    %jit3A_19 = arith.constant 1024 : i32
    %eq3A = arith.constant 0 : i32
    %eq3A_20 = arith.cmpi eq, %jit3A_19, %eq3A : i32
    %jit3A_21 = arith.constant 1 : i32
    %select_n3A_22 = arith.select %eq3A_20, %jit3A_21, %jit3A_19 : i32
    %rem3A_23 = arith.remsi %mul3A_2, %select_n3A_22 : i32
    %ne3A_24 = arith.constant 0 : i32
    %ne3A_25 = arith.cmpi ne, %rem3A_23, %ne3A_24 : i32
    %lt3A = arith.constant 0 : i32
    %lt3A_26 = arith.cmpi slt, %rem3A_23, %lt3A : i32
    %lt3A_27 = arith.constant 0 : i32
    %lt3A_28 = arith.cmpi slt, %select_n3A_22, %lt3A_27 : i32
    %ne3A_29 = arith.xori %lt3A_26, %lt3A_28 : i1
    %and3A_30 = arith.andi %ne3A_29, %ne3A_25 : i1
    %add3A_31 = arith.addi %rem3A_23, %select_n3A_22 : i32
    %select_n3A_32 = arith.select %and3A_30, %add3A_31, %rem3A_23 : i32
    %eq3A_33 = arith.constant 0 : i32
    %eq3A_34 = arith.cmpi eq, %arg1, %eq3A_33 : i32
    %convert_element_type3A = arith.extui %eq3A_34 : i1 to i32
    %cond3A = arith.constant 0 : i32
    %cond3A_35 = arith.cmpi ne, %convert_element_type3A, %cond3A : i32
    scf.if %cond3A_35 {
      "tpu.region"() ({
        %run_scoped3A = tpu.sem_alloc : memref<!tpu.dma_semaphore, #tpu.memory_space<semaphore_mem>>
        tpu.enqueue_dma source(%arg2 : memref<640x128xf32, #tpu.memory_space<hbm>>) target(%arg10 : memref<640x128xf32, #tpu.memory_space<vmem_shared>>) target_semaphore(%run_scoped3A : memref<!tpu.dma_semaphore, #tpu.memory_space<semaphore_mem>>)
        tpu.wait_dma2 semaphore(%run_scoped3A : memref<!tpu.dma_semaphore, #tpu.memory_space<semaphore_mem>>) src(%arg2 : memref<640x128xf32, #tpu.memory_space<hbm>>) dst(%arg10 : memref<640x128xf32, #tpu.memory_space<vmem_shared>>)
        tpu.yield
      }) : () -> ()
    } else {
    }
    "tpu.region"() ({
      %run_scoped3A = tpu.sem_alloc : memref<!tpu.dma_semaphore, #tpu.memory_space<semaphore_mem>>
      %dma_start3A_46 = tpu.memref_slice %arg3[%mul3A_2] : memref<8192xi32, #tpu.memory_space<hbm>> -> memref<256xi32, #tpu.memory_space<hbm>>
      %dma_start3A_47 = tpu.memref_slice %arg3[%mul3A_2] : memref<8192xi32, #tpu.memory_space<hbm>> -> memref<256xi32, #tpu.memory_space<hbm>>
      tpu.enqueue_dma source(%dma_start3A_47 : memref<256xi32, #tpu.memory_space<hbm>>) target(%arg6 : memref<256xi32, #tpu.memory_space<vmem>>) target_semaphore(%run_scoped3A : memref<!tpu.dma_semaphore, #tpu.memory_space<semaphore_mem>>)
      %dma_wait3A_48 = tpu.memref_slice %arg3[%mul3A_2] : memref<8192xi32, #tpu.memory_space<hbm>> -> memref<256xi32, #tpu.memory_space<hbm>>
      %dma_wait3A_49 = tpu.memref_slice %arg3[%mul3A_2] : memref<8192xi32, #tpu.memory_space<hbm>> -> memref<256xi32, #tpu.memory_space<hbm>>
      tpu.wait_dma2 semaphore(%run_scoped3A : memref<!tpu.dma_semaphore, #tpu.memory_space<semaphore_mem>>) src(%dma_wait3A_49 : memref<256xi32, #tpu.memory_space<hbm>>) dst(%arg6 : memref<256xi32, #tpu.memory_space<vmem>>)
      tpu.yield
    }) : () -> ()
    "tpu.region"() ({
      %run_scoped3A = tpu.sem_alloc : memref<!tpu.dma_semaphore, #tpu.memory_space<semaphore_mem>>
      %dma_start3A_46 = tpu.memref_slice %arg4[%mul3A_2] : memref<8192xi32, #tpu.memory_space<hbm>> -> memref<256xi32, #tpu.memory_space<hbm>>
      %dma_start3A_47 = tpu.memref_slice %arg4[%mul3A_2] : memref<8192xi32, #tpu.memory_space<hbm>> -> memref<256xi32, #tpu.memory_space<hbm>>
      tpu.enqueue_dma source(%dma_start3A_47 : memref<256xi32, #tpu.memory_space<hbm>>) target(%arg7 : memref<256xi32, #tpu.memory_space<vmem>>) target_semaphore(%run_scoped3A : memref<!tpu.dma_semaphore, #tpu.memory_space<semaphore_mem>>)
      %dma_wait3A_48 = tpu.memref_slice %arg4[%mul3A_2] : memref<8192xi32, #tpu.memory_space<hbm>> -> memref<256xi32, #tpu.memory_space<hbm>>
      %dma_wait3A_49 = tpu.memref_slice %arg4[%mul3A_2] : memref<8192xi32, #tpu.memory_space<hbm>> -> memref<256xi32, #tpu.memory_space<hbm>>
      tpu.wait_dma2 semaphore(%run_scoped3A : memref<!tpu.dma_semaphore, #tpu.memory_space<semaphore_mem>>) src(%dma_wait3A_49 : memref<256xi32, #tpu.memory_space<hbm>>) dst(%arg7 : memref<256xi32, #tpu.memory_space<vmem>>)
      tpu.yield
    }) : () -> ()
    %barrier3A = arith.constant 0 : index
    tpu.barrier barrier_id(%barrier3A)
    %dma_start3A = arith.constant 0 : i32
    %dma_start3A_36 = arith.constant 0 : i32
    %dma_start3A_37 = tpu.memref_slice %arg10[%dma_start3A, %dma_start3A_36] : memref<640x128xf32, #tpu.memory_space<vmem_shared>> -> memref<640x128xf32, #tpu.memory_space<vmem_shared>>
    tpu.enqueue_indirect_dma source(%dma_start3A_37 : memref<640x128xf32, #tpu.memory_space<vmem_shared>>) target(%arg8 : memref<256x128xf32, #tpu.memory_space<vmem>>) offsets(%arg6 : memref<256xi32, #tpu.memory_space<vmem>>) semaphore(%arg11 : memref<!tpu.dma_semaphore, #tpu.memory_space<semaphore_mem>>)
    %dma_start3A_38 = arith.constant 0 : i32
    %dma_start3A_39 = arith.constant 0 : i32
    %dma_start3A_40 = tpu.memref_slice %arg10[%dma_start3A_38, %dma_start3A_39] : memref<640x128xf32, #tpu.memory_space<vmem_shared>> -> memref<640x128xf32, #tpu.memory_space<vmem_shared>>
    tpu.enqueue_indirect_dma source(%dma_start3A_40 : memref<640x128xf32, #tpu.memory_space<vmem_shared>>) target(%arg9 : memref<256x128xf32, #tpu.memory_space<vmem>>) offsets(%arg7 : memref<256xi32, #tpu.memory_space<vmem>>) semaphore(%arg11 : memref<!tpu.dma_semaphore, #tpu.memory_space<semaphore_mem>>)
    %dma_wait3A = arith.constant 0 : i32
    %dma_wait3A_41 = arith.constant 0 : i32
    %dma_wait3A_42 = tpu.memref_slice %arg10[%dma_wait3A, %dma_wait3A_41] : memref<640x128xf32, #tpu.memory_space<vmem_shared>> -> memref<640x128xf32, #tpu.memory_space<vmem_shared>>
    tpu.wait_indirect_dma semaphore(%arg11 : memref<!tpu.dma_semaphore, #tpu.memory_space<semaphore_mem>>) src(%dma_wait3A_42 : memref<640x128xf32, #tpu.memory_space<vmem_shared>>) dst(%arg8 : memref<256x128xf32, #tpu.memory_space<vmem>>)
    %dma_wait3A_43 = arith.constant 0 : i32
    %dma_wait3A_44 = arith.constant 0 : i32
    %dma_wait3A_45 = tpu.memref_slice %arg10[%dma_wait3A_43, %dma_wait3A_44] : memref<640x128xf32, #tpu.memory_space<vmem_shared>> -> memref<640x128xf32, #tpu.memory_space<vmem_shared>>
    tpu.wait_indirect_dma semaphore(%arg11 : memref<!tpu.dma_semaphore, #tpu.memory_space<semaphore_mem>>) src(%dma_wait3A_45 : memref<640x128xf32, #tpu.memory_space<vmem_shared>>) dst(%arg9 : memref<256x128xf32, #tpu.memory_space<vmem>>)
    "tpu.region"() ({
      %run_scoped3A = tpu.sem_alloc : memref<!tpu.dma_semaphore, #tpu.memory_space<semaphore_mem>>
      %dma_start3A_46 = arith.constant 0 : i32
      %dma_start3A_47 = tpu.memref_slice %arg5[%select_n3A, %select_n3A_32, %dma_start3A_46] : memref<8x1024x256xf32, #tpu.memory_space<hbm>> -> memref<1x256x128xf32, #tpu.memory_space<hbm>>
      %dma_start3A_48 = tpu.memref_squeeze %dma_start3A_47 : memref<1x256x128xf32, #tpu.memory_space<hbm>> -> memref<256x128xf32, #tpu.memory_space<hbm>>
      %dma_start3A_49 = arith.constant 0 : i32
      %dma_start3A_50 = tpu.memref_slice %arg5[%select_n3A, %select_n3A_32, %dma_start3A_49] : memref<8x1024x256xf32, #tpu.memory_space<hbm>> -> memref<1x256x128xf32, #tpu.memory_space<hbm>>
      %dma_start3A_51 = tpu.memref_squeeze %dma_start3A_50 : memref<1x256x128xf32, #tpu.memory_space<hbm>> -> memref<256x128xf32, #tpu.memory_space<hbm>>
      tpu.enqueue_dma source(%arg8 : memref<256x128xf32, #tpu.memory_space<vmem>>) target(%dma_start3A_51 : memref<256x128xf32, #tpu.memory_space<hbm>>) target_semaphore(%run_scoped3A : memref<!tpu.dma_semaphore, #tpu.memory_space<semaphore_mem>>)
      %dma_wait3A_52 = arith.constant 0 : i32
      %dma_wait3A_53 = tpu.memref_slice %arg5[%select_n3A, %select_n3A_32, %dma_wait3A_52] : memref<8x1024x256xf32, #tpu.memory_space<hbm>> -> memref<1x256x128xf32, #tpu.memory_space<hbm>>
      %dma_wait3A_54 = tpu.memref_squeeze %dma_wait3A_53 : memref<1x256x128xf32, #tpu.memory_space<hbm>> -> memref<256x128xf32, #tpu.memory_space<hbm>>
      %dma_wait3A_55 = arith.constant 0 : i32
      %dma_wait3A_56 = tpu.memref_slice %arg5[%select_n3A, %select_n3A_32, %dma_wait3A_55] : memref<8x1024x256xf32, #tpu.memory_space<hbm>> -> memref<1x256x128xf32, #tpu.memory_space<hbm>>
      %dma_wait3A_57 = tpu.memref_squeeze %dma_wait3A_56 : memref<1x256x128xf32, #tpu.memory_space<hbm>> -> memref<256x128xf32, #tpu.memory_space<hbm>>
      tpu.wait_dma2 semaphore(%run_scoped3A : memref<!tpu.dma_semaphore, #tpu.memory_space<semaphore_mem>>) src(%arg8 : memref<256x128xf32, #tpu.memory_space<vmem>>) dst(%dma_wait3A_57 : memref<256x128xf32, #tpu.memory_space<hbm>>)
      tpu.yield
    }) : () -> ()
    "tpu.region"() ({
      %run_scoped3A = tpu.sem_alloc : memref<!tpu.dma_semaphore, #tpu.memory_space<semaphore_mem>>
      %dma_start3A_46 = arith.constant 128 : i32
      %dma_start3A_47 = tpu.memref_slice %arg5[%select_n3A, %select_n3A_32, %dma_start3A_46] : memref<8x1024x256xf32, #tpu.memory_space<hbm>> -> memref<1x256x128xf32, #tpu.memory_space<hbm>>
      %dma_start3A_48 = tpu.memref_squeeze %dma_start3A_47 : memref<1x256x128xf32, #tpu.memory_space<hbm>> -> memref<256x128xf32, #tpu.memory_space<hbm>>
      %dma_start3A_49 = arith.constant 128 : i32
      %dma_start3A_50 = tpu.memref_slice %arg5[%select_n3A, %select_n3A_32, %dma_start3A_49] : memref<8x1024x256xf32, #tpu.memory_space<hbm>> -> memref<1x256x128xf32, #tpu.memory_space<hbm>>
      %dma_start3A_51 = tpu.memref_squeeze %dma_start3A_50 : memref<1x256x128xf32, #tpu.memory_space<hbm>> -> memref<256x128xf32, #tpu.memory_space<hbm>>
      tpu.enqueue_dma source(%arg9 : memref<256x128xf32, #tpu.memory_space<vmem>>) target(%dma_start3A_51 : memref<256x128xf32, #tpu.memory_space<hbm>>) target_semaphore(%run_scoped3A : memref<!tpu.dma_semaphore, #tpu.memory_space<semaphore_mem>>)
      %dma_wait3A_52 = arith.constant 128 : i32
      %dma_wait3A_53 = tpu.memref_slice %arg5[%select_n3A, %select_n3A_32, %dma_wait3A_52] : memref<8x1024x256xf32, #tpu.memory_space<hbm>> -> memref<1x256x128xf32, #tpu.memory_space<hbm>>
      %dma_wait3A_54 = tpu.memref_squeeze %dma_wait3A_53 : memref<1x256x128xf32, #tpu.memory_space<hbm>> -> memref<256x128xf32, #tpu.memory_space<hbm>>
      %dma_wait3A_55 = arith.constant 128 : i32
      %dma_wait3A_56 = tpu.memref_slice %arg5[%select_n3A, %select_n3A_32, %dma_wait3A_55] : memref<8x1024x256xf32, #tpu.memory_space<hbm>> -> memref<1x256x128xf32, #tpu.memory_space<hbm>>
      %dma_wait3A_57 = tpu.memref_squeeze %dma_wait3A_56 : memref<1x256x128xf32, #tpu.memory_space<hbm>> -> memref<256x128xf32, #tpu.memory_space<hbm>>
      tpu.wait_dma2 semaphore(%run_scoped3A : memref<!tpu.dma_semaphore, #tpu.memory_space<semaphore_mem>>) src(%arg9 : memref<256x128xf32, #tpu.memory_space<vmem>>) dst(%dma_wait3A_57 : memref<256x128xf32, #tpu.memory_space<hbm>>)
      tpu.yield
    }) : () -> ()
    return
  }
}

module attributes {stable_mosaic.version = 14 : i64} {
  func.func @_tc_body(%arg0: i32, %arg1: memref<1024x512xf32, #tpu.memory_space<vmem>>, %arg2: memref<512x320xf32, #tpu.memory_space<vmem>>, %arg3: memref<512x320xf32, #tpu.memory_space<vmem>>, %arg4: memref<2x320xf32, #tpu.memory_space<vmem>>, %arg5: memref<1024xi32, #tpu.memory_space<vmem>>, %arg6: memref<1024xi32, #tpu.memory_space<vmem>>, %arg7: memref<1x1xf32, #tpu.memory_space<vmem>>, %arg8: memref<2x320xf32, #tpu.memory_space<vmem>>) attributes {dimension_semantics = [#tpu.dimension_semantics<arbitrary>], iteration_bounds = array<i64: 8>, scalar_prefetch = 0 : i64, scratch_operands = 1 : i64, tpu.core_type = #tpu.core_type<tc>, window_params = [{transform_indices = @transform_0, window_bounds = array<i64: 1024, 512>}, {pipeline_mode = #tpu.pipeline_mode<synchronous>, transform_indices = @transform_1, window_bounds = array<i64: 512, 320>}, {pipeline_mode = #tpu.pipeline_mode<synchronous>, transform_indices = @transform_2, window_bounds = array<i64: 512, 320>}, {pipeline_mode = #tpu.pipeline_mode<synchronous>, transform_indices = @transform_3, window_bounds = array<i64: 2, 320>}, {transform_indices = @transform_4, window_bounds = array<i64: 1024>}, {transform_indices = @transform_5, window_bounds = array<i64: 1024>}, {pipeline_mode = #tpu.pipeline_mode<synchronous>, transform_indices = @transform_6, window_bounds = array<i64: 1, 1>}]} {
    %eq3A = arith.constant 0 : i32
    %eq3A_0 = arith.cmpi eq, %arg0, %eq3A : i32
    %convert_element_type3A = arith.extui %eq3A_0 : i1 to i32
    %cond3A = arith.constant 0 : i32
    %cond3A_1 = arith.cmpi ne, %convert_element_type3A, %cond3A : i32
    scf.if %cond3A_1 {
      %broadcast_in_dim3A_84 = arith.constant 0.000000e+00 : f32
      %broadcast_in_dim3A_85 = vector.broadcast %broadcast_in_dim3A_84 : f32 to vector<2x320xf32>
      %swap3A_86 = arith.constant 0 : index
      %swap3A_87 = arith.constant 0 : index
      %swap3A_88 = vector.load %arg8[%swap3A_86, %swap3A_87] : memref<2x320xf32, #tpu.memory_space<vmem>>, vector<2x320xf32>
      tpu.vector_store %arg8[%swap3A_86, %swap3A_87], %broadcast_in_dim3A_85 {strides = array<i32>} : memref<2x320xf32, #tpu.memory_space<vmem>>, vector<2x320xf32>,
    } else {
    }
    %iota3A = tpu.iota {dimensions = array<i32: 1>} : vector<1024x320xi32>
    %broadcast_in_dim3A = arith.constant 1.000000e+00 : f32
    %broadcast_in_dim3A_2 = vector.broadcast %broadcast_in_dim3A : f32 to vector<1x1024xf32>
    %get3A = arith.constant 0 : index
    %get3A_3 = arith.constant 0 : index
    %get3A_4 = vector.load %arg1[%get3A, %get3A_3] : memref<1024x512xf32, #tpu.memory_space<vmem>>, vector<1024x512xf32>
    %get3A_5 = arith.constant 0 : index
    %get3A_6 = arith.constant 0 : index
    %get3A_7 = vector.load %arg2[%get3A_5, %get3A_6] : memref<512x320xf32, #tpu.memory_space<vmem>>, vector<512x320xf32>
    %dot_general3A = arith.constant dense<0.000000e+00> : vector<1024x320xf32>
    %dot_general3A_8 = tpu.matmul %get3A_4, %get3A_7, %dot_general3A {dimension_numbers = #tpu.dot_dimension_numbers<[1], [0], [0], [1], [0, 0, 1, 1], [], []>, transpose_lhs_hint = false} : vector<1024x512xf32>, vector<512x320xf32>, vector<1024x320xf32> -> vector<1024x320xf32>
    %get3A_9 = arith.constant 0 : index
    %get3A_10 = arith.constant 0 : index
    %get3A_11 = vector.load %arg4[%get3A_9, %get3A_10] : memref<2x320xf32, #tpu.memory_space<vmem>>, vector<1x320xf32>
    %add3A = vector.broadcast %get3A_11 : vector<1x320xf32> to vector<1024x320xf32>
    %add3A_12 = arith.addf %dot_general3A_8, %add3A : vector<1024x320xf32>
    %reduce_max3A = arith.constant dense<0xFF800000> : vector<1024xf32>
    %reduce_max3A_13 = vector.multi_reduction <maximumf>, %add3A_12, %reduce_max3A [1] : vector<1024x320xf32> to vector<1024xf32>
    %broadcast_in_dim3A_14 = vector.shape_cast %reduce_max3A_13 : vector<1024xf32> to vector<1024x1xf32>
    %eq3A_15 = vector.broadcast %broadcast_in_dim3A_14 : vector<1024x1xf32> to vector<1024x320xf32>
    %eq3A_16 = arith.cmpf oeq, %add3A_12, %eq3A_15 : vector<1024x320xf32>
    %jit3A = arith.constant 320 : i32
    %broadcast_in_dim3A_17 = vector.broadcast %jit3A : i32 to vector<1024x320xi32>
    %select_n3A = arith.select %eq3A_16, %iota3A, %broadcast_in_dim3A_17 : vector<1024x320xi1>, vector<1024x320xi32>
    %reduce_min3A = arith.constant dense<2147483647> : vector<1024xi32>
    %reduce_min3A_18 = vector.multi_reduction <minsi>, %select_n3A, %reduce_min3A [1] : vector<1024x320xi32> to vector<1024xi32>
    %add3A_19 = arith.constant 0 : i32
    %add3A_20 = vector.broadcast %add3A_19 : i32 to vector<1024xi32>
    %add3A_21 = arith.addi %reduce_min3A_18, %add3A_20 : vector<1024xi32>
    %swap3A = arith.constant 0 : index
    %swap3A_22 = vector.load %arg5[%swap3A] : memref<1024xi32, #tpu.memory_space<vmem>>, vector<1024xi32>
    tpu.vector_store %arg5[%swap3A], %add3A_21 {strides = array<i32>} : memref<1024xi32, #tpu.memory_space<vmem>>, vector<1024xi32>,
    %broadcast_in_dim3A_23 = vector.shape_cast %reduce_min3A_18 : vector<1024xi32> to vector<1024x1xi32>
    %eq3A_24 = vector.broadcast %broadcast_in_dim3A_23 : vector<1024x1xi32> to vector<1024x320xi32>
    %eq3A_25 = arith.cmpi eq, %iota3A, %eq3A_24 : vector<1024x320xi32>
    %convert_element_type3A_26 = arith.extui %eq3A_25 : vector<1024x320xi1> to vector<1024x320xi32>
    %convert_element_type3A_27 = arith.sitofp %convert_element_type3A_26 : vector<1024x320xi32> to vector<1024x320xf32>
    %get3A_28 = arith.constant 0 : index
    %get3A_29 = arith.constant 0 : index
    %get3A_30 = vector.load %arg8[%get3A_28, %get3A_29] : memref<2x320xf32, #tpu.memory_space<vmem>>, vector<1x320xf32>
    %dot_general3A_31 = arith.constant dense<0.000000e+00> : vector<1x320xf32>
    %dot_general3A_32 = tpu.matmul %broadcast_in_dim3A_2, %convert_element_type3A_27, %dot_general3A_31 {dimension_numbers = #tpu.dot_dimension_numbers<[1], [0], [0], [1], [0, 0, 1, 1], [], []>, transpose_lhs_hint = false} : vector<1x1024xf32>, vector<1024x320xf32>, vector<1x320xf32> -> vector<1x320xf32>
    %add3A_33 = arith.addf %get3A_30, %dot_general3A_32 : vector<1x320xf32>
    %swap3A_34 = arith.constant 0 : index
    %swap3A_35 = arith.constant 0 : index
    %swap3A_36 = vector.load %arg8[%swap3A_34, %swap3A_35] : memref<2x320xf32, #tpu.memory_space<vmem>>, vector<1x320xf32>
    tpu.vector_store %arg8[%swap3A_34, %swap3A_35], %add3A_33 {strides = array<i32>} : memref<2x320xf32, #tpu.memory_space<vmem>>, vector<1x320xf32>,
    %get3A_37 = arith.constant 0 : index
    %get3A_38 = arith.constant 0 : index
    %get3A_39 = vector.load %arg1[%get3A_37, %get3A_38] : memref<1024x512xf32, #tpu.memory_space<vmem>>, vector<1024x512xf32>
    %get3A_40 = arith.constant 0 : index
    %get3A_41 = arith.constant 0 : index
    %get3A_42 = vector.load %arg3[%get3A_40, %get3A_41] : memref<512x320xf32, #tpu.memory_space<vmem>>, vector<512x320xf32>
    %dot_general3A_43 = arith.constant dense<0.000000e+00> : vector<1024x320xf32>
    %dot_general3A_44 = tpu.matmul %get3A_39, %get3A_42, %dot_general3A_43 {dimension_numbers = #tpu.dot_dimension_numbers<[1], [0], [0], [1], [0, 0, 1, 1], [], []>, transpose_lhs_hint = false} : vector<1024x512xf32>, vector<512x320xf32>, vector<1024x320xf32> -> vector<1024x320xf32>
    %get3A_45 = arith.constant 1 : index
    %get3A_46 = arith.constant 0 : index
    %get3A_47 = vector.load %arg4[%get3A_45, %get3A_46] : memref<2x320xf32, #tpu.memory_space<vmem>>, vector<1x320xf32>
    %add3A_48 = vector.broadcast %get3A_47 : vector<1x320xf32> to vector<1024x320xf32>
    %add3A_49 = arith.addf %dot_general3A_44, %add3A_48 : vector<1024x320xf32>
    %reduce_max3A_50 = arith.constant dense<0xFF800000> : vector<1024xf32>
    %reduce_max3A_51 = vector.multi_reduction <maximumf>, %add3A_49, %reduce_max3A_50 [1] : vector<1024x320xf32> to vector<1024xf32>
    %broadcast_in_dim3A_52 = vector.shape_cast %reduce_max3A_51 : vector<1024xf32> to vector<1024x1xf32>
    %eq3A_53 = vector.broadcast %broadcast_in_dim3A_52 : vector<1024x1xf32> to vector<1024x320xf32>
    %eq3A_54 = arith.cmpf oeq, %add3A_49, %eq3A_53 : vector<1024x320xf32>
    %jit3A_55 = arith.constant 320 : i32
    %broadcast_in_dim3A_56 = vector.broadcast %jit3A_55 : i32 to vector<1024x320xi32>
    %select_n3A_57 = arith.select %eq3A_54, %iota3A, %broadcast_in_dim3A_56 : vector<1024x320xi1>, vector<1024x320xi32>
    %reduce_min3A_58 = arith.constant dense<2147483647> : vector<1024xi32>
    %reduce_min3A_59 = vector.multi_reduction <minsi>, %select_n3A_57, %reduce_min3A_58 [1] : vector<1024x320xi32> to vector<1024xi32>
    %add3A_60 = arith.constant 320 : i32
    %add3A_61 = vector.broadcast %add3A_60 : i32 to vector<1024xi32>
    %add3A_62 = arith.addi %reduce_min3A_59, %add3A_61 : vector<1024xi32>
    %swap3A_63 = arith.constant 0 : index
    %swap3A_64 = vector.load %arg6[%swap3A_63] : memref<1024xi32, #tpu.memory_space<vmem>>, vector<1024xi32>
    tpu.vector_store %arg6[%swap3A_63], %add3A_62 {strides = array<i32>} : memref<1024xi32, #tpu.memory_space<vmem>>, vector<1024xi32>,
    %broadcast_in_dim3A_65 = vector.shape_cast %reduce_min3A_59 : vector<1024xi32> to vector<1024x1xi32>
    %eq3A_66 = vector.broadcast %broadcast_in_dim3A_65 : vector<1024x1xi32> to vector<1024x320xi32>
    %eq3A_67 = arith.cmpi eq, %iota3A, %eq3A_66 : vector<1024x320xi32>
    %convert_element_type3A_68 = arith.extui %eq3A_67 : vector<1024x320xi1> to vector<1024x320xi32>
    %convert_element_type3A_69 = arith.sitofp %convert_element_type3A_68 : vector<1024x320xi32> to vector<1024x320xf32>
    %get3A_70 = arith.constant 1 : index
    %get3A_71 = arith.constant 0 : index
    %get3A_72 = vector.load %arg8[%get3A_70, %get3A_71] : memref<2x320xf32, #tpu.memory_space<vmem>>, vector<1x320xf32>
    %dot_general3A_73 = arith.constant dense<0.000000e+00> : vector<1x320xf32>
    %dot_general3A_74 = tpu.matmul %broadcast_in_dim3A_2, %convert_element_type3A_69, %dot_general3A_73 {dimension_numbers = #tpu.dot_dimension_numbers<[1], [0], [0], [1], [0, 0, 1, 1], [], []>, transpose_lhs_hint = false} : vector<1x1024xf32>, vector<1024x320xf32>, vector<1x320xf32> -> vector<1x320xf32>
    %add3A_75 = arith.addf %get3A_72, %dot_general3A_74 : vector<1x320xf32>
    %swap3A_76 = arith.constant 1 : index
    %swap3A_77 = arith.constant 0 : index
    %swap3A_78 = vector.load %arg8[%swap3A_76, %swap3A_77] : memref<2x320xf32, #tpu.memory_space<vmem>>, vector<1x320xf32>
    tpu.vector_store %arg8[%swap3A_76, %swap3A_77], %add3A_75 {strides = array<i32>} : memref<2x320xf32, #tpu.memory_space<vmem>>, vector<1x320xf32>,
    %eq3A_79 = arith.constant 7 : i32
    %eq3A_80 = arith.cmpi eq, %arg0, %eq3A_79 : i32
    %convert_element_type3A_81 = arith.extui %eq3A_80 : i1 to i32
    %cond3A_82 = arith.constant 0 : i32
    %cond3A_83 = arith.cmpi ne, %convert_element_type3A_81, %cond3A_82 : i32
    scf.if %cond3A_83 {
      %get3A_84 = arith.constant 0 : index
      %get3A_85 = arith.constant 0 : index
      %get3A_86 = vector.load %arg8[%get3A_84, %get3A_85] : memref<2x320xf32, #tpu.memory_space<vmem>>, vector<2x320xf32>
      %mul3A = arith.constant 1.22070313E-4 : f32
      %mul3A_87 = vector.broadcast %mul3A : f32 to vector<2x320xf32>
      %mul3A_88 = arith.mulf %get3A_86, %mul3A_87 : vector<2x320xf32>
      %add3A_89 = arith.constant 1.000000e-07 : f32
      %add3A_90 = vector.broadcast %add3A_89 : f32 to vector<2x320xf32>
      %add3A_91 = arith.addf %mul3A_88, %add3A_90 : vector<2x320xf32>
      %log3A = math.log %add3A_91 : vector<2x320xf32>
      %mul3A_92 = arith.mulf %mul3A_88, %log3A : vector<2x320xf32>
      %reduce_sum3A = arith.constant dense<0.000000e+00> : vector<2xf32>
      %reduce_sum3A_93 = vector.multi_reduction <add>, %mul3A_92, %reduce_sum3A [1] : vector<2x320xf32> to vector<2xf32>
      %neg3A = arith.constant 0.000000e+00 : f32
      %neg3A_94 = vector.broadcast %neg3A : f32 to vector<2xf32>
      %neg3A_95 = arith.subf %neg3A_94, %reduce_sum3A_93 : vector<2xf32>
      %exp3A = math.exp %neg3A_95 : vector<2xf32>
      %reduce_sum3A_96 = vector.shape_cast %exp3A : vector<2xf32> to vector<1x2xf32>
      %reduce_sum3A_97 = arith.constant dense<0.000000e+00> : vector<1xf32>
      %reduce_sum3A_98 = vector.multi_reduction <add>, %reduce_sum3A_96, %reduce_sum3A_97 [1] : vector<1x2xf32> to vector<1xf32>
      %reduce_sum3A_99 = vector.shape_cast %reduce_sum3A_98 : vector<1xf32> to vector<1x1xf32>
      %reduce_sum3A_100 = vector.extract %reduce_sum3A_99[0, 0] : f32 from vector<1x1xf32>
      %broadcast_in_dim3A_101 = vector.broadcast %reduce_sum3A_100 : f32 to vector<1x1xf32>
      %swap3A_102 = arith.constant 0 : index
      %swap3A_103 = arith.constant 0 : index
      %swap3A_104 = vector.load %arg7[%swap3A_102, %swap3A_103] : memref<1x1xf32, #tpu.memory_space<vmem>>, vector<1x1xf32>
      tpu.vector_store %arg7[%swap3A_102, %swap3A_103], %broadcast_in_dim3A_101 {strides = array<i32>} : memref<1x1xf32, #tpu.memory_space<vmem>>, vector<1x1xf32>,
    } else {
    }
    return
  }
  func.func @transform_0(%arg0: i32) -> (i32, i32) {
    %c0_i32 = arith.constant 0 : i32
    %c0_i32_0 = arith.constant 0 : i32
    return %arg0, %c0_i32 : i32, i32
  }
  func.func @transform_1(%arg0: i32) -> (i32, i32) {
    %c0_i32 = arith.constant 0 : i32
    %c0_i32_0 = arith.constant 0 : i32
    %c0_i32_1 = arith.constant 0 : i32
    return %c0_i32, %c0_i32_0 : i32, i32
  }
  func.func @transform_2(%arg0: i32) -> (i32, i32) {
    %c0_i32 = arith.constant 0 : i32
    %c0_i32_0 = arith.constant 0 : i32
    %c0_i32_1 = arith.constant 0 : i32
    return %c0_i32, %c0_i32_0 : i32, i32
  }
  func.func @transform_3(%arg0: i32) -> (i32, i32) {
    %c0_i32 = arith.constant 0 : i32
    %c0_i32_0 = arith.constant 0 : i32
    %c0_i32_1 = arith.constant 0 : i32
    return %c0_i32, %c0_i32_0 : i32, i32
  }
  func.func @transform_4(%arg0: i32) -> i32 {
    %c0_i32 = arith.constant 0 : i32
    return %arg0 : i32
  }
  func.func @transform_5(%arg0: i32) -> i32 {
    %c0_i32 = arith.constant 0 : i32
    return %arg0 : i32
  }
  func.func @transform_6(%arg0: i32) -> (i32, i32) {
    %c0_i32 = arith.constant 0 : i32
    %c0_i32_0 = arith.constant 0 : i32
    %c0_i32_1 = arith.constant 0 : i32
    return %c0_i32, %c0_i32_0 : i32, i32
  }
}

</mosaic_0001>

<sc_bundles>
// kernel: kernel.4.cloned.1.call-start
scs
__scs_entry_jumppad:
0x0: {  	(pc) =	sbr.rel $0x88, $3  }
0x1: {  	(tag) =	ssettag $0x0;
	lr =	simm.s32 $0x1  }
0x2: {  	[smem:$0x3F9D] =	sst lr;
	_ =	strace $0xD0000000  }
0x3: {  	_ = 	snop  }
0x4: {  	_ = 	snop  }
0x5: {  	_ = 	snop  }
0x6: {  	_ = 	snop  }
0x7: {  	_ = 	snop  }
__scs_overlays_trampoline_lowered:
0x8: {  	[smem:$0x3FAC] =	sst s0  }
0x9: {  	[smem:$0x3FAD] =	sst s1  }
0xa: {  	[smem:$0x3FAE] =	sst s2  }
0xb: {  	[smem:$0x3FAF] =	sst s3  }
0xc: {  	[smem:$0x3FB0] =	sst s4  }
0xd: {  	[smem:$0x3FB1] =	sst s5  }
0xe: {  	[smem:$0x3FB2] =	sst s6  }
0xf: {  	[smem:$0x3FB3] =	sst s7  }
0x10: {  	[smem:$0x3FB4] =	sst s8  }
0x11: {  	[smem:$0x3FB5] =	sst s9;
	s0 =	simm.s32 @!p0 $0x0  }
0x12: {  	s1 =	sld [smem:$0x3F9B];
	s0 =	simm.s32 @p0 $0x1  }
0x13: {  	[smem:$0x3FB6] =	sst s0;
	s0 =	simm.s32 @!p1 $0x0  }
0x14: {  	s2 =	sld [smem:$0x3F9A];
	s0 =	simm.s32 @p1 $0x1  }
0x15: {  	[smem:$0x3FB7] =	sst s0;
	s0 =	simm.s32 @!p2 $0x0  }
0x16: {  	s3 =	sld [smem:$0x3FDB];
	s0 =	simm.s32 @p2 $0x1  }
0x17: {  	s4 =	simm.s32 $0x1BF5;
	[smem:$0x3FB9] =	sst s0  }
0x18: {  	s0 =	sld [smem:$0x3F9C];
	_ =	swait.ge [sflag:s4], $0x0  }
0x19: {  	s7 =	sld [smem:$0x3F9D]  }
0x1a: {  	s8 =	sadd.s32 $0xFFFFE003, lr  }
0x1b: {  	s9 =	sadd.s32 $0xFFFFFEF7, lr;
	s5 =	simm.s32 $0xFFFFFFFF;
	p2 =	slt.u32 s8, $0xFFFFF086  }
0x1c: {  	p1 =	slt.u32 s9, $0xF7A;
	s5 =	simm.s32 @!p2 $0x0  }
0x1d: {  	s5 =	simm.s32 @p1 $0x1;
	p0 =	seq.s32 s7, s2  }
0x1e: {  	s7 =	smul.u32 @!p0 $0xF7A, s2;
	p2 =	seq.s32 @!p0 s5, $0x0  }
0x1f: {  	s9 =	smul.u32 $0xF7A, s1;
	s8 =	simm.s32 @!p0 $0x1BF5;
	p2 =	por !p2, p0  }
0x20: {  	[sflag:s8] =	ssyncset.s32 @!p0 $0xFFFFF086;
	s6 =	sadd.s32 @!p0 s3, s7;
	s7 =	simm.s32 @!p0 $0x108  }
0x21: {  	s3 =	sadd.s32 s3, s9;
	s6 =	sadd.s32 @!p0 $0x88, s6;
	s7 =	simm.s32 @p2 $0x1082  }
0x22: {  	[simem:s7], [sflag:s8] =	dma.local @!p0 [hbm:s6], $0xF7A  }
0x23: {  	s9 =	sor.u32 $0xD0000000, s2;
	s6 =	simm.s32 $0x108;
	_ =	swait.ge @!p0 [sflag:s8], $0x0  }
0x24: {  	s3 =	sadd.s32 $0x88, s3;
	s6 =	simm.s32 @!p1 $0x1082;
	[sflag:s4] =	ssyncset.s32 $0xFFFFF086  }
0x25: {  	[simem:s6], [sflag:s4] =	dma.local [hbm:s3], $0xF7A  }
0x26: {  	[smem:$0x3F9D] =	sst s1;
	(tag) =	ssettag s2;
	_ =	strace s9  }
0x27: {  	s1 =	sld [smem:$0x3FAD]  }
0x28: {  	s2 =	sld [smem:$0x3FAE]  }
0x29: {  	s4 =	sld [smem:$0x3FB0]  }
0x2a: {  	p0 =	seq.s32 s5, $0x0;
	s5 =	sld [smem:$0x3FB1]  }
0x2b: {  	s6 =	sld [smem:$0x3FB2]  }
0x2c: {  	s7 =	sld [smem:$0x3FB3]  }
0x2d: {  	s3 =	simm.s32 $0x108;
	s8 =	sld [smem:$0x3FB4]  }
0x2e: {  	s3 =	simm.s32 @!p0 $0x1082;
	s9 =	sld [smem:$0x3FB5]  }
0x2f: {  	lr =	sadd.s32 s0, s3;
	s0 =	sld [smem:$0x3FAC]  }
0x30: {  	s3 =	sld [smem:$0x3FAF]  }
0x31: {  	[smem:$0x3FB8] =	sst s10  }
0x32: {  	s10 =	sld [smem:$0x3FB6];
	_ =	sdelay $0x3  }
0x33: {  	p0 =	seq.s32 s10, $0x1;
	s10 =	sld [smem:$0x3FB8];
	_ =	sdelay $0x3  }
0x34: {  	[smem:$0x3FB8] =	sst s10  }
0x35: {  	s10 =	sld [smem:$0x3FB7];
	_ =	sdelay $0x3  }
0x36: {  	p1 =	seq.s32 s10, $0x1;
	s10 =	sld [smem:$0x3FB8];
	_ =	sdelay $0x3  }
0x37: {  	[smem:$0x3FB8] =	sst s10  }
0x38: {  	s10 =	sld [smem:$0x3FB9]  }
0x39: {  	_ = 	snop;
	(pc) =	sbr.ind lr, $3  }
0x3a: {  	_ = 	snop  }
0x3b: {  	_ = 	snop  }
0x3c: {  	p2 =	seq.s32 s10, $0x1;
	s10 =	sld [smem:$0x3FB8]  }
0x3d: {  	_ =	shalt  }
0x3e: {  	_ =	shalt  }
0x3f: {  	_ =	shalt  }
0x40: {  	_ =	shalt  }
0x41: {  	_ =	shalt  }
0x42: {  	_ =	shalt  }
0x43: {  	_ =	shalt  }
0x44: {  	_ =	shalt  }
0x45: {  	_ =	shalt  }
0x46: {  	_ =	shalt  }
0x47: {  	_ =	shalt  }
0x48: {  	_ =	shalt  }
0x49: {  	_ =	shalt  }
0x4a: {  	_ =	shalt  }
0x4b: {  	_ =	shalt  }
0x4c: {  	_ =	shalt  }
0x4d: {  	_ =	shalt  }
0x4e: {  	_ =	shalt  }
0x4f: {  	_ =	shalt  }
0x50: {  	_ =	shalt  }
0x51: {  	_ =	shalt  }
0x52: {  	_ =	shalt  }
0x53: {  	_ =	shalt  }
0x54: {  	_ =	shalt  }
0x55: {  	_ =	shalt  }
0x56: {  	_ =	shalt  }
0x57: {  	_ =	shalt  }
0x58: {  	_ =	shalt  }
0x59: {  	_ =	shalt  }
0x5a: {  	_ =	shalt  }
0x5b: {  	_ =	shalt  }
0x5c: {  	_ =	shalt  }
0x5d: {  	_ =	shalt  }
0x5e: {  	_ =	shalt  }
0x5f: {  	_ =	shalt  }
0x60: {  	_ =	shalt  }
0x61: {  	_ =	shalt  }
0x62: {  	_ =	shalt  }
0x63: {  	_ =	shalt  }
0x64: {  	_ =	shalt  }
0x65: {  	_ =	shalt  }
0x66: {  	_ =	shalt  }
0x67: {  	_ =	shalt  }
0x68: {  	_ =	shalt  }
0x69: {  	_ =	shalt  }
0x6a: {  	_ =	shalt  }
0x6b: {  	_ =	shalt  }
0x6c: {  	_ =	shalt  }
0x6d: {  	_ =	shalt  }
0x6e: {  	_ =	shalt  }
0x6f: {  	_ =	shalt  }
0x70: {  	_ =	shalt  }
0x71: {  	_ =	shalt  }
0x72: {  	_ =	shalt  }
0x73: {  	_ =	shalt  }
0x74: {  	_ =	shalt  }
0x75: {  	_ =	shalt  }
0x76: {  	_ =	shalt  }
0x77: {  	_ =	shalt  }
0x78: {  	_ =	shalt  }
0x79: {  	_ =	shalt  }
0x7a: {  	_ =	shalt  }
0x7b: {  	_ =	shalt  }
0x7c: {  	_ =	shalt  }
0x7d: {  	_ =	shalt  }
0x7e: {  	_ =	shalt  }
0x7f: {  	_ =	shalt  }
0x80: {  	_ =	shalt  }
0x81: {  	_ =	shalt  }
0x82: {  	_ =	shalt  }
0x83: {  	_ =	shalt  }
0x84: {  	_ =	shalt  }
0x85: {  	_ =	shalt  }
0x86: {  	_ =	shalt  }
0x87: {  	_ =	shalt  }
.Lfunc_end0:
.L_simem_size_0:
called_computation_lowered:
.L_overlay_start_0:
0x88: {  	s2 =	sld [smem:$0x3FD9]  }
0x89: {  	s3 =	sld [smem:$0x3FFE];
	_ =	sdelay $0x1  }
0x8a: {  	s1 =	srdreg.scid  }
0x8b: {  	s0 =	sand.u32 $0x1, s1  }
0x8c: {  	s14 =	sshll.u32 s0, $0xA;
	s2 =	sadd.s32 s3, s2  }
0x8d: {  	s2 =	sadd.s32 s2, s14  }
0x8e: {  	[smem:$0x3FC4] =	sst s2  }
0x8f: {  	_ = 	snop  }
0x90: {  	s2 =	sld [smem:$0x3FD0];
	_ =	sdelay $0x2  }
0x91: {  	s4 =	simm.s32 $0xA;
	s5 =	simm.s32 $0x10;
	s15 =	sld [smem:$0x3FC6]  }
0x92: {  	[smem:s5], [sflag:s4] =	dma.local [hbm:s2], $0x1  }
0x93: {  	_ =	swait.eq [sflag:s4], $0x1  }
0x94: {  	[sflag:s4] =	ssyncset.done $0x0  }
0x95: {  	[sflag:s4] =	ssyncadd.s32 $0xFFFFFFFF  }
0x96: {  	s16 =	sld [smem:$0x10];
	(tm) =	ssettm $0x1  }
0x97: {  	s17 =	sld [smem:$0x3FFB];
	_ =	sdelay $0x3  }
0x98: {  	_ =	strace s17  }
0x99: {  	s4 =	sld [smem:$0x3FFC];
	_ =	sdelay $0x3  }
0x9a: {  	_ =	strace s4  }
0x9b: {  	s4 =	sld [smem:$0x3FFD];
	_ =	sdelay $0x3  }
0x9c: {  	_ =	strace s4  }
0x9d: {  	_ =	strace $0x8FFFFFFF  }
0x9e: {  	s18 =	sld [smem:$0x3FDB];
	_ =	sdelay $0x1  }
0x9f: {  	s19 =	simm.s32 $_scs_section_size  }
0xa0: {  	s6 =	simm.s32 $_size__tile_overlayer_lowered;
	s7 =	simm.s32 $_tile_overlayer_lowered  }
0xa1: {  	s22 =	simm.s32 $0x1BFF;
	s21 =	sshll.u32 s7, $0x1;
	s4 =	sadd.s32 s19, s18  }
0xa2: {  	s8 =	simm.s32 $0x0;
	s20 =	sshll.u32 s6, $0x1;
	s6 =	sadd.s32 s21, s4  }
0xa3: {  	[timem:s8], [sflag:s22] =	dma.local [hbm:s6], s20  }
0xa4: {  	_ =	swait.ge [sflag:s22], s20  }
0xa5: {  	s5 =	ssub.s32 $0x0, s20;
	[sflag:s22] =	ssyncset.done $0x0  }
0xa6: {  	[sflag:s22] =	ssyncadd.s32 s5;
	_ =	sdelay $0x1  }
0xa7: {  	s23 =	simm.s32 $0x1B8B  }
0xa8: {  	_ =	swait.ge [sflag:s23], $0x1  }
0xa9: {  	[sflag:s23] =	ssyncset.done $0x0  }
0xaa: {  	s25 =	simm.s32 $0x1B8E;
	s24 =	sld [smem:$0x3FFE];
	[sflag:s23] =	ssyncadd.s32 $0xFFFFFFFF  }
0xab: {  	s26 =	simm.s32 $execute0_lowered;
	[smem:$0x3FD2] =	sst s25  }
0xac: {  	s6 =	sshll.u32 s26, $0x1;
	_ =	strace $0x80000046;
	[dreg:$0x1] =	wrdreg $0xFFFFFFFF  }
0xad: {  	s28 =	simm.s32 $_size_execute0_lowered;
	s4 =	sadd.s32 s4, s6;
	[dreg:$0x0] =	wrdreg $0x0  }
0xae: {  	s6 =	sshll.u32 s28, $0x1;
	[dreg:$0x2] =	wrdreg s4  }
0xaf: {  	[dreg:$0x3] =	wrdreg s6  }
0xb0: {  	[dreg:$0x4] =	wrdreg $0xC0  }
0xb1: {  	_ =	task [dreg:s8], $0x5FFFF  }
0xb2: {  	[dreg:$0x1] =	wrdreg $0xFFFFFFFF  }
0xb3: {  	[dreg:$0x0] =	wrdreg $0x60  }
0xb4: {  	[dreg:$0x2] =	wrdreg s15  }
0xb5: {  	[dreg:$0x3] =	wrdreg s24  }
0xb6: {  	[dreg:$0x4] =	wrdreg s16  }
0xb7: {  	[dreg:$0x5] =	wrdreg $0x102000  }
0xb8: {  	[dreg:$0x6] =	wrdreg $0x9  }
0xb9: {  	_ =	task.clear_ibuf [dreg:s8], $0x7FFFF;
	_ =	strace $0x90000046  }
0xba: {  	s29 =	simm.s32 $0x9;
	_ =	strace $0x80000048  }
0xbb: {  	_ =	swait.ge [sflag:s29], $0x1  }
0xbc: {  	[sflag:s29] =	ssyncadd.s32 $0xFFFFFFFF  }
0xbd: {  	_ =	strace $0x90000048  }
0xbe: {  	_ =	sfence  }
0xbf: {  	s30 =	sld [smem:$0x0];
	_ =	sdelay $0x2  }
0xc0: {  	s31 =	sshll.u32 s1, $0xD;
	s1 =	sshrl.u32 s1, $0x2  }
0xc1: {  	s3 =	sand.u32 $0x4000, s31;
	s1 =	sadd.s32 s1, s30  }
0xc2: {  	s0 =	sor.u32 s3, s0;
	s1 =	sshll.u32 s1, $0x11  }
0xc3: {  	s0 =	sor.u32 s1, s0  }
0xc4: {  	s0 =	sadd.s32 $0x8F2B, s0  }
0xc5: {  	[sflag:s0] =	ssyncadd.remote.s32 $0x1  }
0xc6: {  	_ =	sfence.sel $0xFFFF  }
0xc7: {  	[dreg:$0x0] =	wrdreg $0xFFFFFFFF;
	(pc) =	sbr.abs _section_cstart, $3  }
0xc8: {  	[dreg:$0x1] =	wrdreg $0xFFFFFFFF  }
0xc9: {  	_ =	task.clear_ibuf [dreg:s8], $0x2FFFF;
	_ =	strace $0x9FFFFFFF  }
0xca: {  	(tm) =	ssettm $0x7FFFFFFF  }
0xcb: {  	_ =	shalt  }
tec
execute0_lowered:
.L_overlay_start_1:
0x0: {  	(tag) =	ssettag $0x1  }
0x1: {  	s2 =	srdreg.scid  }
0x2: {  	s7 =	stileid.u32;
	s6 =	sand.u32 $0x1, s2  }
0x3: {  	s5 =	rddreg [dreg:$0x0];
	s8 =	sshll.u32 s7, $0x9;
	s9 =	sshll.u32 s6, $0x8  }
0x4: {  	s3 =	rddreg [dreg:$0x1];
	s6 =	ssub.s32 $0x2, s6;
	s8 =	sor.u32 s9, s8  }
0x5: {  	s4 =	rddreg [dreg:$0x2];
	s30 =	sshrl.u32 s6, $0x1;
	s9 =	sshrl.u32 s8, $0x3  }
0x6: {  	s1 =	rddreg [dreg:$0x3];
	s3 =	sadd.s32 s9, s3;
	s9 =	ssub.s32 s6, s30  }
0x7: {  	s0 =	rddreg [dreg:$0x4];
	s31 =	smax.u32 s9, $0x1  }
0x8: {  	s13 =	simm.s32 $0x100;
	s11 =	simm.s32 $0x1;
	s18 =	sadd.s32 $0xFFFFFFFF, s31  }
0x9: {  	s10 =	simm.s32 $0x800;
	p1 =	por $0x0, $0x0;
	p2 =	sne.s32 s18, $0x0  }
.Ltmp0:
0xa: {  	s2 =	simm.s32 $0x0;
	p0 =	sne.s32 s7, $0x0;
	(pc) =	sbr.rel @!p2 .LBB2_3-.Ltmp0, $4  }
0xb: {  	s7 =	simm.s32 $0x8200;
	[smem:$0x7FF] =	sst s2;
	s8 =	sshll.u32 s8, $0x5  }
0xc: {  	s15 =	sshrl.u32 @!p0 s1, $0x3;
	_ =	strace $0x80000047;
	s6 =	sadd.s32 s4, s8  }
0xd: {  	s4 =	simm.s32 $0x2;
	s8 =	simm.s32 $0x200;
	s14 =	sadd.s32 $0xE00, s3  }
0xe: {  	s12 =	sadd.s32 $0x1200, s3;
	s3 =	sadd.s32 $0x80, s6;
	s9 =	simm.s32 $0x400  }
0xf: {  	s16 =	simm.s32 @!p0 $0x1C02;
	s17 =	simm.s32 @!p0 $0x2  }
0x10: {  	[spmem:s15], [sflag:s16] =	dma.local @!p0 [hbm:s5], $0x2800  }
0x11: {  	_ =	swait.ge @!p0 [sflag:s17], $0x2800  }
0x12: {  	[sflag:s17] =	ssyncset.done @!p0 $0x0  }
0x13: {  	[sflag:s17] =	ssyncadd.s32 @!p0 $0xFFFFD800  }
0x14: {  	[tilespmem:s2], [sflag:$0x2] =	stream.linear.gather [hbm4b:s14+s2], $0x100, $0x38;
	[tilespmem:$0x11600] =	vst v63  }
0x15: {  	_ =	swait.ge [sflag:s4], $0x100  }
0x16: {  	[sflag:s4] =	ssyncset.done $0x0  }
0x17: {  	[sflag:s4] =	ssyncadd.s32 $0xFFFFFF00  }
0x18: {  	[tilespmem:s13], [sflag:$0x2] =	stream.linear.gather [hbm4b:s12+s2], $0x100, $0x38;
	[tilespmem:$0x11600] =	vst v63  }
0x19: {  	_ =	swait.ge [sflag:s4], $0x100  }
0x1a: {  	[sflag:s4] =	ssyncset.done $0x0  }
0x1b: {  	[sflag:s4] =	ssyncadd.s32 $0xFFFFFF00  }
0x1c: {  	[bflag:$0x0] =	sbarrier.arrive $0xFFFF  }
0x1d: {  	[tilespmem:s8], [sflag:$0x1] =	stream.indirect.gather [spmem:s1], $0x80, s2, s13, $0xb8;
	[tilespmem:$0x11600] =	vst v63  }
0x1e: {  	_ = 	snop  }
0x1f: {  	[tilespmem:s7], [sflag:$0x1] =	stream.indirect.gather [spmem:s1], $0x80, s13, s13, $0xb8;
	[tilespmem:$0x11600] =	vst v63  }
0x20: {  	_ =	swait.ge [sflag:s11], $0x8000  }
0x21: {  	[sflag:s11] =	ssyncset.done $0x0  }
0x22: {  	[sflag:s11] =	ssyncadd.s32 $0xFFFF8000  }
0x23: {  	_ =	swait.ge [sflag:s11], $0x8000  }
0x24: {  	[sflag:s11] =	ssyncset.done $0x0  }
0x25: {  	s18 =	sadd.s32 $0xFFFFFFFF, s18;
	[sflag:s11] =	ssyncadd.s32 $0xFFFF8000  }
0x26: {  	[hbm4b:s6+s9] =	stream.strided.scatter [tilespmem:s8], [sflag:$0x2], $0x8000, s10, s9, $0x38;
	[tilespmem:$0x11600] =	vst v63  }
0x27: {  	p2 =	sne.s32 s18, $0x0;
	_ =	swait.ge [sflag:s4], $0x8000  }
.Ltmp1:
0x28: {  	[sflag:s4] =	ssyncset.done $0x0;
	(pc) =	sbr.rel @!p2 .LBB2_3-.Ltmp1, $4  }
0x29: {  	[sflag:s4] =	ssyncadd.s32 $0xFFFF8000  }
0x2a: {  	[hbm4b:s3+s9] =	stream.strided.scatter [tilespmem:s7], [sflag:$0x2], $0x8000, s10, s9, $0x38;
	[tilespmem:$0x11600] =	vst v63  }
0x2b: {  	_ =	swait.ge [sflag:s4], $0x8000  }
0x2c: {  	p1 =	por $0x1, $0x1;
	[sflag:s4] =	ssyncset.done $0x0  }
.LBB2_2:
0x2d: {  	[sflag:s4] =	ssyncadd.s32 $0xFFFF8000  }
0x2e: {  	[spmem:s15], [sflag:s16] =	dma.local @!p0 [hbm:s5], $0x2800  }
0x2f: {  	s18 =	sadd.s32 $0xFFFFFFFF, s18;
	_ =	swait.ge @!p0 [sflag:s17], $0x2800  }
0x30: {  	p2 =	sne.s32 s18, $0x0;
	[sflag:s17] =	ssyncset.done @!p0 $0x0  }
0x31: {  	[sflag:s17] =	ssyncadd.s32 @!p0 $0xFFFFD800  }
0x32: {  	[tilespmem:s2], [sflag:$0x2] =	stream.linear.gather [hbm4b:s14+s2], $0x100, $0x38;
	[tilespmem:$0x11600] =	vst v63  }
0x33: {  	_ =	swait.ge [sflag:s4], $0x100  }
0x34: {  	[sflag:s4] =	ssyncset.done $0x0  }
0x35: {  	[sflag:s4] =	ssyncadd.s32 $0xFFFFFF00  }
0x36: {  	[tilespmem:s13], [sflag:$0x2] =	stream.linear.gather [hbm4b:s12+s2], $0x100, $0x38;
	[tilespmem:$0x11600] =	vst v63  }
0x37: {  	_ =	swait.ge [sflag:s4], $0x100  }
0x38: {  	[sflag:s4] =	ssyncset.done $0x0  }
0x39: {  	[sflag:s4] =	ssyncadd.s32 $0xFFFFFF00  }
0x3a: {  	[bflag:$0x0] =	sbarrier.arrive $0xFFFF  }
0x3b: {  	[tilespmem:s8], [sflag:$0x1] =	stream.indirect.gather [spmem:s1], $0x80, s2, s13, $0xb8;
	[tilespmem:$0x11600] =	vst v63  }
0x3c: {  	_ = 	snop  }
0x3d: {  	[tilespmem:s7], [sflag:$0x1] =	stream.indirect.gather [spmem:s1], $0x80, s13, s13, $0xb8;
	[tilespmem:$0x11600] =	vst v63  }
0x3e: {  	_ =	swait.ge [sflag:s11], $0x8000  }
0x3f: {  	[sflag:s11] =	ssyncset.done $0x0  }
0x40: {  	[sflag:s11] =	ssyncadd.s32 $0xFFFF8000  }
0x41: {  	_ =	swait.ge [sflag:s11], $0x8000  }
0x42: {  	[sflag:s11] =	ssyncset.done $0x0  }
0x43: {  	[sflag:s11] =	ssyncadd.s32 $0xFFFF8000  }
0x44: {  	[hbm4b:s6+s9] =	stream.strided.scatter [tilespmem:s8], [sflag:$0x2], $0x8000, s10, s9, $0x38;
	[tilespmem:$0x11600] =	vst v63  }
0x45: {  	_ =	swait.ge [sflag:s4], $0x8000  }
.Ltmp2:
0x46: {  	[sflag:s4] =	ssyncset.done $0x0;
	(pc) =	sbr.rel @p2 .LBB2_2-.Ltmp2, $4  }
0x47: {  	[sflag:s4] =	ssyncadd.s32 $0xFFFF8000  }
0x48: {  	[hbm4b:s3+s9] =	stream.strided.scatter [tilespmem:s7], [sflag:$0x2], $0x8000, s10, s9, $0x38;
	[tilespmem:$0x11600] =	vst v63  }
0x49: {  	_ =	swait.ge [sflag:s4], $0x8000  }
0x4a: {  	[sflag:s4] =	ssyncset.done $0x0  }
.LBB2_3:
0x4b: {  	s16 =	simm.s32 @!p0 $0x1C02;
	s17 =	simm.s32 @!p0 $0x2;
	[sflag:s4] =	ssyncadd.s32 @p1 $0xFFFF8000  }
0x4c: {  	[spmem:s15], [sflag:s16] =	dma.local @!p0 [hbm:s5], $0x2800  }
0x4d: {  	_ =	swait.ge @!p0 [sflag:s17], $0x2800  }
0x4e: {  	[sflag:s17] =	ssyncset.done @!p0 $0x0  }
0x4f: {  	[sflag:s17] =	ssyncadd.s32 @!p0 $0xFFFFD800  }
0x50: {  	[tilespmem:s2], [sflag:$0x2] =	stream.linear.gather [hbm4b:s14+s2], $0x100, $0x38;
	[tilespmem:$0x11600] =	vst v63  }
0x51: {  	_ =	swait.ge [sflag:s4], $0x100  }
0x52: {  	[sflag:s4] =	ssyncset.done $0x0  }
0x53: {  	[sflag:s4] =	ssyncadd.s32 $0xFFFFFF00  }
0x54: {  	[tilespmem:s13], [sflag:$0x2] =	stream.linear.gather [hbm4b:s12+s2], $0x100, $0x38;
	[tilespmem:$0x11600] =	vst v63  }
0x55: {  	_ =	swait.ge [sflag:s4], $0x100  }
0x56: {  	[sflag:s4] =	ssyncset.done $0x0  }
0x57: {  	[sflag:s4] =	ssyncadd.s32 $0xFFFFFF00  }
0x58: {  	[bflag:$0x0] =	sbarrier.arrive $0xFFFF  }
0x59: {  	[tilespmem:s8], [sflag:$0x1] =	stream.indirect.gather [spmem:s1], $0x80, s2, s13, $0xb8;
	[tilespmem:$0x11600] =	vst v63  }
0x5a: {  	_ = 	snop  }
0x5b: {  	[tilespmem:s7], [sflag:$0x1] =	stream.indirect.gather [spmem:s1], $0x80, s13, s13, $0xb8;
	[tilespmem:$0x11600] =	vst v63  }
0x5c: {  	_ =	swait.ge [sflag:s11], $0x8000  }
0x5d: {  	[sflag:s11] =	ssyncset.done $0x0  }
0x5e: {  	[sflag:s11] =	ssyncadd.s32 $0xFFFF8000  }
0x5f: {  	_ =	swait.ge [sflag:s11], $0x8000  }
0x60: {  	[sflag:s11] =	ssyncset.done $0x0  }
0x61: {  	[sflag:s11] =	ssyncadd.s32 $0xFFFF8000  }
0x62: {  	[hbm4b:s6+s9] =	stream.strided.scatter [tilespmem:s8], [sflag:$0x2], $0x8000, s10, s9, $0x38;
	[tilespmem:$0x11600] =	vst v63  }
0x63: {  	_ =	swait.ge [sflag:s4], $0x8000  }
0x64: {  	[sflag:s4] =	ssyncset.done $0x0  }
0x65: {  	[sflag:s4] =	ssyncadd.s32 $0xFFFF8000  }
0x66: {  	[hbm4b:s3+s9] =	stream.strided.scatter [tilespmem:s7], [sflag:$0x2], $0x8000, s10, s9, $0x38;
	[tilespmem:$0x11600] =	vst v63  }
0x67: {  	_ =	swait.ge [sflag:s4], $0x8000  }
0x68: {  	[sflag:s4] =	ssyncset.done $0x0  }
0x69: {  	[sflag:s4] =	ssyncadd.s32 $0xFFFF8000  }
0x6a: {  	_ =	sfence.sel $0x180000  }
0x6b: {  	[bflag:$0x0] =	sbarrier.arrive $0xFFFF  }
0x6c: {  	_ =	strace $0x90000047  }
0x6d: {  	s0 =	sadd.s32 @!p0 $0x100000, s0;
	[bflag:$0x2] =	sbarrier.arrive $0xFFFF  }
0x6e: {  	[sflag:s0] =	ssyncadd.tile.s32 @!p0 $0x1;
	_ =	shalt  }
.Lfunc_end2:
_tile_overlayer_lowered:
.L_overlay_start_2:
0x6f: {  	(tag) =	ssettag $0x2  }
0x70: {  	s0 =	rddreg [dreg:$0x0];
	s2 =	stileid.u32  }
0x71: {  	s1 =	rddreg [dreg:$0x1];
	p0 =	sne.s32 s2, $0x0  }
0x72: {  	s3 =	rddreg [dreg:$0x2];
	[bflag:$0x3] =	sbarrier.arrive $0xFFFF;
	s2 =	simm.s32 @!p0 $0x1C02  }
0x73: {  	[timem:s3], [sflag:s2] =	dma.local @!p0 [hbm:s0], s1  }
0x74: {  	s0 =	simm.s32 @!p0 $0x2  }
0x75: {  	_ =	swait.ge @!p0 [sflag:s0], s1  }
0x76: {  	s1 =	ssub.s32 @!p0 $0x0, s1;
	[sflag:s0] =	ssyncset.done @!p0 $0x0  }
0x77: {  	[sflag:s0] =	ssyncadd.s32 @!p0 s1  }
0x78: {  	[bflag:$0x3] =	sbarrier.arrive $0xFFFF  }
0x79: {  	_ =	shalt  }

</sc_bundles>
